<compile_context>
chip_gen: v7x
topology: tpu7x:2x2x1
jax: 0.10.2.dev20260603
libtpu: 0.0.44.dev20260713+nightly
codegen_flags: <defaults>
</compile_context>

<pallas_src>
import functools

import jax
import jax.numpy as jnp
from jax import lax
from jax.experimental import pallas as pl
from jax.experimental.pallas import tpu as pltpu
from jax.experimental.pallas import tpu_sc as plsc

B = 128
S = 8192
_LANES = 16


def _sc_gather_sum(span_cols, start_flat, end_flat):
    mesh = plsc.VectorSubcoreMesh(
        core_axis_name="c", subcore_axis_name="s", num_cores=1
    )

    @functools.partial(
        pl.kernel,
        out_type=jax.ShapeDtypeStruct((2, _LANES), jnp.float32),
        mesh=mesh,
        scratch_types=[
            pltpu.VMEM((B,), jnp.int32),
            pltpu.VMEM((B,), jnp.int32),
            pltpu.VMEM((B,), jnp.float32),
            pltpu.VMEM((_LANES,), jnp.float32),
            pltpu.SemaphoreType.DMA,
        ],
    )
    def k(span_hbm, start_hbm, end_hbm, out_hbm, span_v, idx_v, val_v, sum_v, sem):
        wid = lax.axis_index("s")

        @pl.when(wid < 2)
        def _():
            pltpu.sync_copy(span_hbm.at[pl.ds(wid * B, B)], span_v)
            iota = lax.iota(jnp.int32, _LANES)
            for i in range(B // _LANES):
                b = 16 * i + iota
                s = span_v[pl.ds(16 * i, _LANES)]
                idx_v[pl.ds(16 * i, _LANES)] = (
                    (b >> 3) * 65536
                    + (b & 7) * 128
                    + (s >> 7) * 1024
                    + (s & 127)
                )

        @pl.when(wid == 0)
        def _():
            pltpu.async_copy(start_hbm.at[idx_v], val_v, sem).wait()

        @pl.when(wid == 1)
        def _():
            pltpu.async_copy(end_hbm.at[idx_v], val_v, sem).wait()

        @pl.when(wid < 2)
        def _():
            acc = jnp.zeros((_LANES,), jnp.float32)
            for i in range(B // _LANES):
                acc = acc + val_v[pl.ds(16 * i, _LANES)]
            sum_v[...] = acc
            pltpu.sync_copy(sum_v, out_hbm.at[wid])

    return k(span_cols, start_flat, end_flat)


def _tc_lse_sum(start_scores, end_scores):

    def body(s_ref, e_ref, out_ref):
        lse_s = jnp.log(jnp.sum(jnp.exp(s_ref[...]), axis=1))
        lse_e = jnp.log(jnp.sum(jnp.exp(e_ref[...]), axis=1))
        out_ref[0, 0] = jnp.sum(lse_s) + jnp.sum(lse_e)

    return pl.pallas_call(
        body,
        in_specs=[
            pl.BlockSpec(memory_space=pltpu.VMEM),
            pl.BlockSpec(memory_space=pltpu.VMEM),
        ],
        out_specs=pl.BlockSpec(memory_space=pltpu.SMEM),
        out_shape=jax.ShapeDtypeStruct((1, 1), jnp.float32),
    )(start_scores, end_scores)


@jax.jit
def kernel(start_scores, end_scores, answer_span, answer_to_question):
    del answer_to_question
    span_cols = answer_span.astype(jnp.int32).T.reshape(-1)

    def tiled_view(x):
        return x.reshape(16, 8, 64, 128).transpose(0, 2, 1, 3).reshape(-1)

    g = _sc_gather_sum(span_cols, tiled_view(start_scores), tiled_view(end_scores))
    lse = _tc_lse_sum(start_scores, end_scores)
    return (lse[0, 0] - jnp.sum(g)) * (1.0 / B)

# --- scband reference (transcript-rebuilt; emitter-appended) ---
"""Pipeline reference for scband-xqamin-crossentropy-loss-module-78159814852731 (READ-ONLY COPY).

The authoritative reference and input builder live on the scoring server;
editing this copy changes nothing except your own understanding.
"""

import jax, jax.numpy as jnp
import numpy as np


def setup_inputs(seed: int = 0) -> dict:
    key = jax.random.key(seed)
    k1, k2, k3 = jax.random.split(key, 3)
    B, S = 128, 8192
    start_scores = jax.random.normal(k1, (B, S), dtype=jnp.float32)
    end_scores = jax.random.normal(k2, (B, S), dtype=jnp.float32)
    answer_span = jax.random.randint(k3, (B, 2), 0, S, dtype=jnp.int32)
    answer_to_question = jnp.arange(B, dtype=jnp.int32)
    return {
        'start_scores': start_scores,
        'end_scores': end_scores,
        'answer_span': answer_span,
        'answer_to_question': answer_to_question,
    }


def reference(start_scores, end_scores, answer_span, answer_to_question):
    # faithful translation of XQAMinCrossentropyLossModule.forward
    span = answer_span.astype(jnp.int32)
    start = span[:, 0]
    end = span[:, 1]
    a2q = answer_to_question.reshape(-1).astype(jnp.int32)
    batch_size1 = start.shape[0]
    batch_size2 = start_scores.shape[0]
    is_aligned = batch_size1 == batch_size2
    if not is_aligned:
        start_scores = jnp.take(start_scores, a2q, axis=0)
        end_scores = jnp.take(end_scores, a2q, axis=0)
    ls_start = jax.nn.log_softmax(start_scores, axis=-1)
    ls_end = jax.nn.log_softmax(end_scores, axis=-1)
    # per-answer loss: -log p(start) - log p(end)
    per_answer = -jnp.take_along_axis(ls_start, start[:, None], axis=1)[:, 0] \
                 - jnp.take_along_axis(ls_end, end[:, None], axis=1)[:, 0]
    # partition losses by question, take min per question (multi-answer min-CE)
    num_questions = a2q.shape[0]
    partitioned = jax.ops.segment_min(per_answer, a2q, num_segments=num_questions)
    loss = jnp.mean(partitioned)
    return loss

if __name__ == "__main__":
    import jax
    _d = setup_inputs()
    print(jax.jit(kernel)(*tuple(_d.values())))

</pallas_src>

<mosaic_0001>
#map = affine_map<(d0, d1) -> (0)>
#map1 = affine_map<(d0, d1) -> (0, 0)>
module attributes {stable_mosaic.version = 14 : i64} {
  func.func @k(%arg0: i32, %arg1: i32, %arg2: memref<256xi32, #tpu.memory_space<hbm>>, %arg3: memref<1048576xf32, #tpu.memory_space<hbm>>, %arg4: memref<1048576xf32, #tpu.memory_space<hbm>>, %arg5: memref<2x16xf32, #tpu.memory_space<hbm>>, %arg6: memref<128xi32, #tpu.memory_space<vmem>>, %arg7: memref<128xi32, #tpu.memory_space<vmem>>, %arg8: memref<128xf32, #tpu.memory_space<vmem>>, %arg9: memref<16xf32, #tpu.memory_space<vmem>>, %arg10: memref<!tpu.dma_semaphore, #tpu.memory_space<semaphore_mem>>) attributes {dimension_semantics = [#tpu.dimension_semantics<core_parallel>, #tpu.dimension_semantics<subcore_parallel>], iteration_bounds = array<i64: 1, 16>, scalar_prefetch = 0 : i64, scratch_operands = 5 : i64, tpu.core_type = #tpu.core_type<sc_vector_subcore>, window_params = [{transform_indices = #map}, {transform_indices = #map}, {transform_indices = #map}, {transform_indices = #map1}]} {
    %lt3A = arith.constant 2 : i32
    %lt3A_0 = arith.cmpi slt, %arg1, %lt3A : i32
    %convert_element_type3A = arith.extui %lt3A_0 : i1 to i32
    %cond3A = arith.constant 0 : i32
    %cond3A_1 = arith.cmpi ne, %convert_element_type3A, %cond3A : i32
    scf.if %cond3A_1 {
      %mul3A = arith.constant 128 : i32
      %mul3A_16 = arith.muli %arg1, %mul3A : i32
      "tpu.region"() ({
        %run_scoped3A = tpu.sem_alloc : memref<!tpu.dma_semaphore, #tpu.memory_space<semaphore_mem>>
        %dma_start3A = tpu.memref_slice %arg2[%mul3A_16] : memref<256xi32, #tpu.memory_space<hbm>> -> memref<128xi32, #tpu.memory_space<hbm>>
        %dma_start3A_284 = tpu.memref_slice %arg2[%mul3A_16] : memref<256xi32, #tpu.memory_space<hbm>> -> memref<128xi32, #tpu.memory_space<hbm>>
        tpu.enqueue_dma source(%dma_start3A_284 : memref<128xi32, #tpu.memory_space<hbm>>) target(%arg6 : memref<128xi32, #tpu.memory_space<vmem>>) target_semaphore(%run_scoped3A : memref<!tpu.dma_semaphore, #tpu.memory_space<semaphore_mem>>)
        %dma_wait3A = tpu.memref_slice %arg2[%mul3A_16] : memref<256xi32, #tpu.memory_space<hbm>> -> memref<128xi32, #tpu.memory_space<hbm>>
        %dma_wait3A_285 = tpu.memref_slice %arg2[%mul3A_16] : memref<256xi32, #tpu.memory_space<hbm>> -> memref<128xi32, #tpu.memory_space<hbm>>
        tpu.wait_dma2 semaphore(%run_scoped3A : memref<!tpu.dma_semaphore, #tpu.memory_space<semaphore_mem>>) src(%dma_wait3A_285 : memref<128xi32, #tpu.memory_space<hbm>>) dst(%arg6 : memref<128xi32, #tpu.memory_space<vmem>>)
        tpu.yield
      }) : () -> ()
      %iota3A = tpu.iota {dimensions = array<i32: 0>} : vector<16xi32>
      %add3A = arith.constant 0 : i32
      %add3A_17 = vector.broadcast %add3A : i32 to vector<16xi32>
      %add3A_18 = arith.addi %add3A_17, %iota3A : vector<16xi32>
      %get3A = arith.constant 0 : index
      %get3A_19 = tpu.vector_load %arg6[%get3A] {strides = array<i32>} : memref<128xi32, #tpu.memory_space<vmem>>, vector<16xi32>,
      %get3A_20 = vector.shape_cast %get3A_19 : vector<16xi32> to vector<16xi32>
      %shift_right_arithmetic3A = arith.constant 3 : i32
      %shift_right_arithmetic3A_21 = vector.broadcast %shift_right_arithmetic3A : i32 to vector<16xi32>
      %shift_right_arithmetic3A_22 = arith.shrsi %add3A_18, %shift_right_arithmetic3A_21 : vector<16xi32>
      %mul3A_23 = arith.constant 65536 : i32
      %mul3A_24 = vector.broadcast %mul3A_23 : i32 to vector<16xi32>
      %mul3A_25 = arith.muli %shift_right_arithmetic3A_22, %mul3A_24 : vector<16xi32>
      %and3A = arith.constant 7 : i32
      %and3A_26 = vector.broadcast %and3A : i32 to vector<16xi32>
      %and3A_27 = arith.andi %add3A_18, %and3A_26 : vector<16xi32>
      %mul3A_28 = arith.constant 128 : i32
      %mul3A_29 = vector.broadcast %mul3A_28 : i32 to vector<16xi32>
      %mul3A_30 = arith.muli %and3A_27, %mul3A_29 : vector<16xi32>
      %add3A_31 = arith.addi %mul3A_25, %mul3A_30 : vector<16xi32>
      %shift_right_arithmetic3A_32 = arith.constant 7 : i32
      %shift_right_arithmetic3A_33 = vector.broadcast %shift_right_arithmetic3A_32 : i32 to vector<16xi32>
      %shift_right_arithmetic3A_34 = arith.shrsi %get3A_20, %shift_right_arithmetic3A_33 : vector<16xi32>
      %mul3A_35 = arith.constant 1024 : i32
      %mul3A_36 = vector.broadcast %mul3A_35 : i32 to vector<16xi32>
      %mul3A_37 = arith.muli %shift_right_arithmetic3A_34, %mul3A_36 : vector<16xi32>
      %add3A_38 = arith.addi %add3A_31, %mul3A_37 : vector<16xi32>
      %and3A_39 = arith.constant 127 : i32
      %and3A_40 = vector.broadcast %and3A_39 : i32 to vector<16xi32>
      %and3A_41 = arith.andi %get3A_20, %and3A_40 : vector<16xi32>
      %add3A_42 = arith.addi %add3A_38, %and3A_41 : vector<16xi32>
      %swap3A = arith.constant 0 : index
      %swap3A_43 = tpu.vector_load %arg7[%swap3A] {strides = array<i32>} : memref<128xi32, #tpu.memory_space<vmem>>, vector<16xi32>,
      %swap3A_44 = vector.shape_cast %swap3A_43 : vector<16xi32> to vector<16xi32>
      %swap3A_45 = vector.shape_cast %add3A_42 : vector<16xi32> to vector<16xi32>
      tpu.vector_store %arg7[%swap3A], %swap3A_45 {strides = array<i32>} : memref<128xi32, #tpu.memory_space<vmem>>, vector<16xi32>,
      %add3A_46 = arith.constant 16 : i32
      %add3A_47 = vector.broadcast %add3A_46 : i32 to vector<16xi32>
      %add3A_48 = arith.addi %add3A_47, %iota3A : vector<16xi32>
      %get3A_49 = arith.constant 16 : index
      %get3A_50 = tpu.vector_load %arg6[%get3A_49] {strides = array<i32>} : memref<128xi32, #tpu.memory_space<vmem>>, vector<16xi32>,
      %get3A_51 = vector.shape_cast %get3A_50 : vector<16xi32> to vector<16xi32>
      %shift_right_arithmetic3A_52 = arith.constant 3 : i32
      %shift_right_arithmetic3A_53 = vector.broadcast %shift_right_arithmetic3A_52 : i32 to vector<16xi32>
      %shift_right_arithmetic3A_54 = arith.shrsi %add3A_48, %shift_right_arithmetic3A_53 : vector<16xi32>
      %mul3A_55 = arith.constant 65536 : i32
      %mul3A_56 = vector.broadcast %mul3A_55 : i32 to vector<16xi32>
      %mul3A_57 = arith.muli %shift_right_arithmetic3A_54, %mul3A_56 : vector<16xi32>
      %and3A_58 = arith.constant 7 : i32
      %and3A_59 = vector.broadcast %and3A_58 : i32 to vector<16xi32>
      %and3A_60 = arith.andi %add3A_48, %and3A_59 : vector<16xi32>
      %mul3A_61 = arith.constant 128 : i32
      %mul3A_62 = vector.broadcast %mul3A_61 : i32 to vector<16xi32>
      %mul3A_63 = arith.muli %and3A_60, %mul3A_62 : vector<16xi32>
      %add3A_64 = arith.addi %mul3A_57, %mul3A_63 : vector<16xi32>
      %shift_right_arithmetic3A_65 = arith.constant 7 : i32
      %shift_right_arithmetic3A_66 = vector.broadcast %shift_right_arithmetic3A_65 : i32 to vector<16xi32>
      %shift_right_arithmetic3A_67 = arith.shrsi %get3A_51, %shift_right_arithmetic3A_66 : vector<16xi32>
      %mul3A_68 = arith.constant 1024 : i32
      %mul3A_69 = vector.broadcast %mul3A_68 : i32 to vector<16xi32>
      %mul3A_70 = arith.muli %shift_right_arithmetic3A_67, %mul3A_69 : vector<16xi32>
      %add3A_71 = arith.addi %add3A_64, %mul3A_70 : vector<16xi32>
      %and3A_72 = arith.constant 127 : i32
      %and3A_73 = vector.broadcast %and3A_72 : i32 to vector<16xi32>
      %and3A_74 = arith.andi %get3A_51, %and3A_73 : vector<16xi32>
      %add3A_75 = arith.addi %add3A_71, %and3A_74 : vector<16xi32>
      %swap3A_76 = arith.constant 16 : index
      %swap3A_77 = tpu.vector_load %arg7[%swap3A_76] {strides = array<i32>} : memref<128xi32, #tpu.memory_space<vmem>>, vector<16xi32>,
      %swap3A_78 = vector.shape_cast %swap3A_77 : vector<16xi32> to vector<16xi32>
      %swap3A_79 = vector.shape_cast %add3A_75 : vector<16xi32> to vector<16xi32>
      tpu.vector_store %arg7[%swap3A_76], %swap3A_79 {strides = array<i32>} : memref<128xi32, #tpu.memory_space<vmem>>, vector<16xi32>,
      %add3A_80 = arith.constant 32 : i32
      %add3A_81 = vector.broadcast %add3A_80 : i32 to vector<16xi32>
      %add3A_82 = arith.addi %add3A_81, %iota3A : vector<16xi32>
      %get3A_83 = arith.constant 32 : index
      %get3A_84 = tpu.vector_load %arg6[%get3A_83] {strides = array<i32>} : memref<128xi32, #tpu.memory_space<vmem>>, vector<16xi32>,
      %get3A_85 = vector.shape_cast %get3A_84 : vector<16xi32> to vector<16xi32>
      %shift_right_arithmetic3A_86 = arith.constant 3 : i32
      %shift_right_arithmetic3A_87 = vector.broadcast %shift_right_arithmetic3A_86 : i32 to vector<16xi32>
      %shift_right_arithmetic3A_88 = arith.shrsi %add3A_82, %shift_right_arithmetic3A_87 : vector<16xi32>
      %mul3A_89 = arith.constant 65536 : i32
      %mul3A_90 = vector.broadcast %mul3A_89 : i32 to vector<16xi32>
      %mul3A_91 = arith.muli %shift_right_arithmetic3A_88, %mul3A_90 : vector<16xi32>
      %and3A_92 = arith.constant 7 : i32
      %and3A_93 = vector.broadcast %and3A_92 : i32 to vector<16xi32>
      %and3A_94 = arith.andi %add3A_82, %and3A_93 : vector<16xi32>
      %mul3A_95 = arith.constant 128 : i32
      %mul3A_96 = vector.broadcast %mul3A_95 : i32 to vector<16xi32>
      %mul3A_97 = arith.muli %and3A_94, %mul3A_96 : vector<16xi32>
      %add3A_98 = arith.addi %mul3A_91, %mul3A_97 : vector<16xi32>
      %shift_right_arithmetic3A_99 = arith.constant 7 : i32
      %shift_right_arithmetic3A_100 = vector.broadcast %shift_right_arithmetic3A_99 : i32 to vector<16xi32>
      %shift_right_arithmetic3A_101 = arith.shrsi %get3A_85, %shift_right_arithmetic3A_100 : vector<16xi32>
      %mul3A_102 = arith.constant 1024 : i32
      %mul3A_103 = vector.broadcast %mul3A_102 : i32 to vector<16xi32>
      %mul3A_104 = arith.muli %shift_right_arithmetic3A_101, %mul3A_103 : vector<16xi32>
      %add3A_105 = arith.addi %add3A_98, %mul3A_104 : vector<16xi32>
      %and3A_106 = arith.constant 127 : i32
      %and3A_107 = vector.broadcast %and3A_106 : i32 to vector<16xi32>
      %and3A_108 = arith.andi %get3A_85, %and3A_107 : vector<16xi32>
      %add3A_109 = arith.addi %add3A_105, %and3A_108 : vector<16xi32>
      %swap3A_110 = arith.constant 32 : index
      %swap3A_111 = tpu.vector_load %arg7[%swap3A_110] {strides = array<i32>} : memref<128xi32, #tpu.memory_space<vmem>>, vector<16xi32>,
      %swap3A_112 = vector.shape_cast %swap3A_111 : vector<16xi32> to vector<16xi32>
      %swap3A_113 = vector.shape_cast %add3A_109 : vector<16xi32> to vector<16xi32>
      tpu.vector_store %arg7[%swap3A_110], %swap3A_113 {strides = array<i32>} : memref<128xi32, #tpu.memory_space<vmem>>, vector<16xi32>,
      %add3A_114 = arith.constant 48 : i32
      %add3A_115 = vector.broadcast %add3A_114 : i32 to vector<16xi32>
      %add3A_116 = arith.addi %add3A_115, %iota3A : vector<16xi32>
      %get3A_117 = arith.constant 48 : index
      %get3A_118 = tpu.vector_load %arg6[%get3A_117] {strides = array<i32>} : memref<128xi32, #tpu.memory_space<vmem>>, vector<16xi32>,
      %get3A_119 = vector.shape_cast %get3A_118 : vector<16xi32> to vector<16xi32>
      %shift_right_arithmetic3A_120 = arith.constant 3 : i32
      %shift_right_arithmetic3A_121 = vector.broadcast %shift_right_arithmetic3A_120 : i32 to vector<16xi32>
      %shift_right_arithmetic3A_122 = arith.shrsi %add3A_116, %shift_right_arithmetic3A_121 : vector<16xi32>
      %mul3A_123 = arith.constant 65536 : i32
      %mul3A_124 = vector.broadcast %mul3A_123 : i32 to vector<16xi32>
      %mul3A_125 = arith.muli %shift_right_arithmetic3A_122, %mul3A_124 : vector<16xi32>
      %and3A_126 = arith.constant 7 : i32
      %and3A_127 = vector.broadcast %and3A_126 : i32 to vector<16xi32>
      %and3A_128 = arith.andi %add3A_116, %and3A_127 : vector<16xi32>
      %mul3A_129 = arith.constant 128 : i32
      %mul3A_130 = vector.broadcast %mul3A_129 : i32 to vector<16xi32>
      %mul3A_131 = arith.muli %and3A_128, %mul3A_130 : vector<16xi32>
      %add3A_132 = arith.addi %mul3A_125, %mul3A_131 : vector<16xi32>
      %shift_right_arithmetic3A_133 = arith.constant 7 : i32
      %shift_right_arithmetic3A_134 = vector.broadcast %shift_right_arithmetic3A_133 : i32 to vector<16xi32>
      %shift_right_arithmetic3A_135 = arith.shrsi %get3A_119, %shift_right_arithmetic3A_134 : vector<16xi32>
      %mul3A_136 = arith.constant 1024 : i32
      %mul3A_137 = vector.broadcast %mul3A_136 : i32 to vector<16xi32>
      %mul3A_138 = arith.muli %shift_right_arithmetic3A_135, %mul3A_137 : vector<16xi32>
      %add3A_139 = arith.addi %add3A_132, %mul3A_138 : vector<16xi32>
      %and3A_140 = arith.constant 127 : i32
      %and3A_141 = vector.broadcast %and3A_140 : i32 to vector<16xi32>
      %and3A_142 = arith.andi %get3A_119, %and3A_141 : vector<16xi32>
      %add3A_143 = arith.addi %add3A_139, %and3A_142 : vector<16xi32>
      %swap3A_144 = arith.constant 48 : index
      %swap3A_145 = tpu.vector_load %arg7[%swap3A_144] {strides = array<i32>} : memref<128xi32, #tpu.memory_space<vmem>>, vector<16xi32>,
      %swap3A_146 = vector.shape_cast %swap3A_145 : vector<16xi32> to vector<16xi32>
      %swap3A_147 = vector.shape_cast %add3A_143 : vector<16xi32> to vector<16xi32>
      tpu.vector_store %arg7[%swap3A_144], %swap3A_147 {strides = array<i32>} : memref<128xi32, #tpu.memory_space<vmem>>, vector<16xi32>,
      %add3A_148 = arith.constant 64 : i32
      %add3A_149 = vector.broadcast %add3A_148 : i32 to vector<16xi32>
      %add3A_150 = arith.addi %add3A_149, %iota3A : vector<16xi32>
      %get3A_151 = arith.constant 64 : index
      %get3A_152 = tpu.vector_load %arg6[%get3A_151] {strides = array<i32>} : memref<128xi32, #tpu.memory_space<vmem>>, vector<16xi32>,
      %get3A_153 = vector.shape_cast %get3A_152 : vector<16xi32> to vector<16xi32>
      %shift_right_arithmetic3A_154 = arith.constant 3 : i32
      %shift_right_arithmetic3A_155 = vector.broadcast %shift_right_arithmetic3A_154 : i32 to vector<16xi32>
      %shift_right_arithmetic3A_156 = arith.shrsi %add3A_150, %shift_right_arithmetic3A_155 : vector<16xi32>
      %mul3A_157 = arith.constant 65536 : i32
      %mul3A_158 = vector.broadcast %mul3A_157 : i32 to vector<16xi32>
      %mul3A_159 = arith.muli %shift_right_arithmetic3A_156, %mul3A_158 : vector<16xi32>
      %and3A_160 = arith.constant 7 : i32
      %and3A_161 = vector.broadcast %and3A_160 : i32 to vector<16xi32>
      %and3A_162 = arith.andi %add3A_150, %and3A_161 : vector<16xi32>
      %mul3A_163 = arith.constant 128 : i32
      %mul3A_164 = vector.broadcast %mul3A_163 : i32 to vector<16xi32>
      %mul3A_165 = arith.muli %and3A_162, %mul3A_164 : vector<16xi32>
      %add3A_166 = arith.addi %mul3A_159, %mul3A_165 : vector<16xi32>
      %shift_right_arithmetic3A_167 = arith.constant 7 : i32
      %shift_right_arithmetic3A_168 = vector.broadcast %shift_right_arithmetic3A_167 : i32 to vector<16xi32>
      %shift_right_arithmetic3A_169 = arith.shrsi %get3A_153, %shift_right_arithmetic3A_168 : vector<16xi32>
      %mul3A_170 = arith.constant 1024 : i32
      %mul3A_171 = vector.broadcast %mul3A_170 : i32 to vector<16xi32>
      %mul3A_172 = arith.muli %shift_right_arithmetic3A_169, %mul3A_171 : vector<16xi32>
      %add3A_173 = arith.addi %add3A_166, %mul3A_172 : vector<16xi32>
      %and3A_174 = arith.constant 127 : i32
      %and3A_175 = vector.broadcast %and3A_174 : i32 to vector<16xi32>
      %and3A_176 = arith.andi %get3A_153, %and3A_175 : vector<16xi32>
      %add3A_177 = arith.addi %add3A_173, %and3A_176 : vector<16xi32>
      %swap3A_178 = arith.constant 64 : index
      %swap3A_179 = tpu.vector_load %arg7[%swap3A_178] {strides = array<i32>} : memref<128xi32, #tpu.memory_space<vmem>>, vector<16xi32>,
      %swap3A_180 = vector.shape_cast %swap3A_179 : vector<16xi32> to vector<16xi32>
      %swap3A_181 = vector.shape_cast %add3A_177 : vector<16xi32> to vector<16xi32>
      tpu.vector_store %arg7[%swap3A_178], %swap3A_181 {strides = array<i32>} : memref<128xi32, #tpu.memory_space<vmem>>, vector<16xi32>,
      %add3A_182 = arith.constant 80 : i32
      %add3A_183 = vector.broadcast %add3A_182 : i32 to vector<16xi32>
      %add3A_184 = arith.addi %add3A_183, %iota3A : vector<16xi32>
      %get3A_185 = arith.constant 80 : index
      %get3A_186 = tpu.vector_load %arg6[%get3A_185] {strides = array<i32>} : memref<128xi32, #tpu.memory_space<vmem>>, vector<16xi32>,
      %get3A_187 = vector.shape_cast %get3A_186 : vector<16xi32> to vector<16xi32>
      %shift_right_arithmetic3A_188 = arith.constant 3 : i32
      %shift_right_arithmetic3A_189 = vector.broadcast %shift_right_arithmetic3A_188 : i32 to vector<16xi32>
      %shift_right_arithmetic3A_190 = arith.shrsi %add3A_184, %shift_right_arithmetic3A_189 : vector<16xi32>
      %mul3A_191 = arith.constant 65536 : i32
      %mul3A_192 = vector.broadcast %mul3A_191 : i32 to vector<16xi32>
      %mul3A_193 = arith.muli %shift_right_arithmetic3A_190, %mul3A_192 : vector<16xi32>
      %and3A_194 = arith.constant 7 : i32
      %and3A_195 = vector.broadcast %and3A_194 : i32 to vector<16xi32>
      %and3A_196 = arith.andi %add3A_184, %and3A_195 : vector<16xi32>
      %mul3A_197 = arith.constant 128 : i32
      %mul3A_198 = vector.broadcast %mul3A_197 : i32 to vector<16xi32>
      %mul3A_199 = arith.muli %and3A_196, %mul3A_198 : vector<16xi32>
      %add3A_200 = arith.addi %mul3A_193, %mul3A_199 : vector<16xi32>
      %shift_right_arithmetic3A_201 = arith.constant 7 : i32
      %shift_right_arithmetic3A_202 = vector.broadcast %shift_right_arithmetic3A_201 : i32 to vector<16xi32>
      %shift_right_arithmetic3A_203 = arith.shrsi %get3A_187, %shift_right_arithmetic3A_202 : vector<16xi32>
      %mul3A_204 = arith.constant 1024 : i32
      %mul3A_205 = vector.broadcast %mul3A_204 : i32 to vector<16xi32>
      %mul3A_206 = arith.muli %shift_right_arithmetic3A_203, %mul3A_205 : vector<16xi32>
      %add3A_207 = arith.addi %add3A_200, %mul3A_206 : vector<16xi32>
      %and3A_208 = arith.constant 127 : i32
      %and3A_209 = vector.broadcast %and3A_208 : i32 to vector<16xi32>
      %and3A_210 = arith.andi %get3A_187, %and3A_209 : vector<16xi32>
      %add3A_211 = arith.addi %add3A_207, %and3A_210 : vector<16xi32>
      %swap3A_212 = arith.constant 80 : index
      %swap3A_213 = tpu.vector_load %arg7[%swap3A_212] {strides = array<i32>} : memref<128xi32, #tpu.memory_space<vmem>>, vector<16xi32>,
      %swap3A_214 = vector.shape_cast %swap3A_213 : vector<16xi32> to vector<16xi32>
      %swap3A_215 = vector.shape_cast %add3A_211 : vector<16xi32> to vector<16xi32>
      tpu.vector_store %arg7[%swap3A_212], %swap3A_215 {strides = array<i32>} : memref<128xi32, #tpu.memory_space<vmem>>, vector<16xi32>,
      %add3A_216 = arith.constant 96 : i32
      %add3A_217 = vector.broadcast %add3A_216 : i32 to vector<16xi32>
      %add3A_218 = arith.addi %add3A_217, %iota3A : vector<16xi32>
      %get3A_219 = arith.constant 96 : index
      %get3A_220 = tpu.vector_load %arg6[%get3A_219] {strides = array<i32>} : memref<128xi32, #tpu.memory_space<vmem>>, vector<16xi32>,
      %get3A_221 = vector.shape_cast %get3A_220 : vector<16xi32> to vector<16xi32>
      %shift_right_arithmetic3A_222 = arith.constant 3 : i32
      %shift_right_arithmetic3A_223 = vector.broadcast %shift_right_arithmetic3A_222 : i32 to vector<16xi32>
      %shift_right_arithmetic3A_224 = arith.shrsi %add3A_218, %shift_right_arithmetic3A_223 : vector<16xi32>
      %mul3A_225 = arith.constant 65536 : i32
      %mul3A_226 = vector.broadcast %mul3A_225 : i32 to vector<16xi32>
      %mul3A_227 = arith.muli %shift_right_arithmetic3A_224, %mul3A_226 : vector<16xi32>
      %and3A_228 = arith.constant 7 : i32
      %and3A_229 = vector.broadcast %and3A_228 : i32 to vector<16xi32>
      %and3A_230 = arith.andi %add3A_218, %and3A_229 : vector<16xi32>
      %mul3A_231 = arith.constant 128 : i32
      %mul3A_232 = vector.broadcast %mul3A_231 : i32 to vector<16xi32>
      %mul3A_233 = arith.muli %and3A_230, %mul3A_232 : vector<16xi32>
      %add3A_234 = arith.addi %mul3A_227, %mul3A_233 : vector<16xi32>
      %shift_right_arithmetic3A_235 = arith.constant 7 : i32
      %shift_right_arithmetic3A_236 = vector.broadcast %shift_right_arithmetic3A_235 : i32 to vector<16xi32>
      %shift_right_arithmetic3A_237 = arith.shrsi %get3A_221, %shift_right_arithmetic3A_236 : vector<16xi32>
      %mul3A_238 = arith.constant 1024 : i32
      %mul3A_239 = vector.broadcast %mul3A_238 : i32 to vector<16xi32>
      %mul3A_240 = arith.muli %shift_right_arithmetic3A_237, %mul3A_239 : vector<16xi32>
      %add3A_241 = arith.addi %add3A_234, %mul3A_240 : vector<16xi32>
      %and3A_242 = arith.constant 127 : i32
      %and3A_243 = vector.broadcast %and3A_242 : i32 to vector<16xi32>
      %and3A_244 = arith.andi %get3A_221, %and3A_243 : vector<16xi32>
      %add3A_245 = arith.addi %add3A_241, %and3A_244 : vector<16xi32>
      %swap3A_246 = arith.constant 96 : index
      %swap3A_247 = tpu.vector_load %arg7[%swap3A_246] {strides = array<i32>} : memref<128xi32, #tpu.memory_space<vmem>>, vector<16xi32>,
      %swap3A_248 = vector.shape_cast %swap3A_247 : vector<16xi32> to vector<16xi32>
      %swap3A_249 = vector.shape_cast %add3A_245 : vector<16xi32> to vector<16xi32>
      tpu.vector_store %arg7[%swap3A_246], %swap3A_249 {strides = array<i32>} : memref<128xi32, #tpu.memory_space<vmem>>, vector<16xi32>,
      %add3A_250 = arith.constant 112 : i32
      %add3A_251 = vector.broadcast %add3A_250 : i32 to vector<16xi32>
      %add3A_252 = arith.addi %add3A_251, %iota3A : vector<16xi32>
      %get3A_253 = arith.constant 112 : index
      %get3A_254 = tpu.vector_load %arg6[%get3A_253] {strides = array<i32>} : memref<128xi32, #tpu.memory_space<vmem>>, vector<16xi32>,
      %get3A_255 = vector.shape_cast %get3A_254 : vector<16xi32> to vector<16xi32>
      %shift_right_arithmetic3A_256 = arith.constant 3 : i32
      %shift_right_arithmetic3A_257 = vector.broadcast %shift_right_arithmetic3A_256 : i32 to vector<16xi32>
      %shift_right_arithmetic3A_258 = arith.shrsi %add3A_252, %shift_right_arithmetic3A_257 : vector<16xi32>
      %mul3A_259 = arith.constant 65536 : i32
      %mul3A_260 = vector.broadcast %mul3A_259 : i32 to vector<16xi32>
      %mul3A_261 = arith.muli %shift_right_arithmetic3A_258, %mul3A_260 : vector<16xi32>
      %and3A_262 = arith.constant 7 : i32
      %and3A_263 = vector.broadcast %and3A_262 : i32 to vector<16xi32>
      %and3A_264 = arith.andi %add3A_252, %and3A_263 : vector<16xi32>
      %mul3A_265 = arith.constant 128 : i32
      %mul3A_266 = vector.broadcast %mul3A_265 : i32 to vector<16xi32>
      %mul3A_267 = arith.muli %and3A_264, %mul3A_266 : vector<16xi32>
      %add3A_268 = arith.addi %mul3A_261, %mul3A_267 : vector<16xi32>
      %shift_right_arithmetic3A_269 = arith.constant 7 : i32
      %shift_right_arithmetic3A_270 = vector.broadcast %shift_right_arithmetic3A_269 : i32 to vector<16xi32>
      %shift_right_arithmetic3A_271 = arith.shrsi %get3A_255, %shift_right_arithmetic3A_270 : vector<16xi32>
      %mul3A_272 = arith.constant 1024 : i32
      %mul3A_273 = vector.broadcast %mul3A_272 : i32 to vector<16xi32>
      %mul3A_274 = arith.muli %shift_right_arithmetic3A_271, %mul3A_273 : vector<16xi32>
      %add3A_275 = arith.addi %add3A_268, %mul3A_274 : vector<16xi32>
      %and3A_276 = arith.constant 127 : i32
      %and3A_277 = vector.broadcast %and3A_276 : i32 to vector<16xi32>
      %and3A_278 = arith.andi %get3A_255, %and3A_277 : vector<16xi32>
      %add3A_279 = arith.addi %add3A_275, %and3A_278 : vector<16xi32>
      %swap3A_280 = arith.constant 112 : index
      %swap3A_281 = tpu.vector_load %arg7[%swap3A_280] {strides = array<i32>} : memref<128xi32, #tpu.memory_space<vmem>>, vector<16xi32>,
      %swap3A_282 = vector.shape_cast %swap3A_281 : vector<16xi32> to vector<16xi32>
      %swap3A_283 = vector.shape_cast %add3A_279 : vector<16xi32> to vector<16xi32>
      tpu.vector_store %arg7[%swap3A_280], %swap3A_283 {strides = array<i32>} : memref<128xi32, #tpu.memory_space<vmem>>, vector<16xi32>,
    } else {
    }
    %eq3A = arith.constant 0 : i32
    %eq3A_2 = arith.cmpi eq, %arg1, %eq3A : i32
    %convert_element_type3A_3 = arith.extui %eq3A_2 : i1 to i32
    %cond3A_4 = arith.constant 0 : i32
    %cond3A_5 = arith.cmpi ne, %convert_element_type3A_3, %cond3A_4 : i32
    scf.if %cond3A_5 {
      %dma_start3A = arith.constant 0 : i32
      %dma_start3A_16 = tpu.memref_slice %arg3[%dma_start3A] : memref<1048576xf32, #tpu.memory_space<hbm>> -> memref<1048576xf32, #tpu.memory_space<hbm>>
      tpu.enqueue_indirect_dma source(%dma_start3A_16 : memref<1048576xf32, #tpu.memory_space<hbm>>) target(%arg8 : memref<128xf32, #tpu.memory_space<vmem>>) offsets(%arg7 : memref<128xi32, #tpu.memory_space<vmem>>) semaphore(%arg10 : memref<!tpu.dma_semaphore, #tpu.memory_space<semaphore_mem>>)
      %dma_wait3A = arith.constant 0 : i32
      %dma_wait3A_17 = tpu.memref_slice %arg3[%dma_wait3A] : memref<1048576xf32, #tpu.memory_space<hbm>> -> memref<1048576xf32, #tpu.memory_space<hbm>>
      tpu.wait_indirect_dma semaphore(%arg10 : memref<!tpu.dma_semaphore, #tpu.memory_space<semaphore_mem>>) src(%dma_wait3A_17 : memref<1048576xf32, #tpu.memory_space<hbm>>) dst(%arg8 : memref<128xf32, #tpu.memory_space<vmem>>)
    } else {
    }
    %eq3A_6 = arith.constant 1 : i32
    %eq3A_7 = arith.cmpi eq, %arg1, %eq3A_6 : i32
    %convert_element_type3A_8 = arith.extui %eq3A_7 : i1 to i32
    %cond3A_9 = arith.constant 0 : i32
    %cond3A_10 = arith.cmpi ne, %convert_element_type3A_8, %cond3A_9 : i32
    scf.if %cond3A_10 {
      %dma_start3A = arith.constant 0 : i32
      %dma_start3A_16 = tpu.memref_slice %arg4[%dma_start3A] : memref<1048576xf32, #tpu.memory_space<hbm>> -> memref<1048576xf32, #tpu.memory_space<hbm>>
      tpu.enqueue_indirect_dma source(%dma_start3A_16 : memref<1048576xf32, #tpu.memory_space<hbm>>) target(%arg8 : memref<128xf32, #tpu.memory_space<vmem>>) offsets(%arg7 : memref<128xi32, #tpu.memory_space<vmem>>) semaphore(%arg10 : memref<!tpu.dma_semaphore, #tpu.memory_space<semaphore_mem>>)
      %dma_wait3A = arith.constant 0 : i32
      %dma_wait3A_17 = tpu.memref_slice %arg4[%dma_wait3A] : memref<1048576xf32, #tpu.memory_space<hbm>> -> memref<1048576xf32, #tpu.memory_space<hbm>>
      tpu.wait_indirect_dma semaphore(%arg10 : memref<!tpu.dma_semaphore, #tpu.memory_space<semaphore_mem>>) src(%dma_wait3A_17 : memref<1048576xf32, #tpu.memory_space<hbm>>) dst(%arg8 : memref<128xf32, #tpu.memory_space<vmem>>)
    } else {
    }
    %lt3A_11 = arith.constant 2 : i32
    %lt3A_12 = arith.cmpi slt, %arg1, %lt3A_11 : i32
    %convert_element_type3A_13 = arith.extui %lt3A_12 : i1 to i32
    %cond3A_14 = arith.constant 0 : i32
    %cond3A_15 = arith.cmpi ne, %convert_element_type3A_13, %cond3A_14 : i32
    scf.if %cond3A_15 {
      %broadcast_in_dim3A = arith.constant 0.000000e+00 : f32
      %broadcast_in_dim3A_16 = vector.broadcast %broadcast_in_dim3A : f32 to vector<16xf32>
      %get3A = arith.constant 0 : index
      %get3A_17 = tpu.vector_load %arg8[%get3A] {strides = array<i32>} : memref<128xf32, #tpu.memory_space<vmem>>, vector<16xf32>,
      %get3A_18 = vector.shape_cast %get3A_17 : vector<16xf32> to vector<16xf32>
      %add3A = arith.addf %broadcast_in_dim3A_16, %get3A_18 : vector<16xf32>
      %get3A_19 = arith.constant 16 : index
      %get3A_20 = tpu.vector_load %arg8[%get3A_19] {strides = array<i32>} : memref<128xf32, #tpu.memory_space<vmem>>, vector<16xf32>,
      %get3A_21 = vector.shape_cast %get3A_20 : vector<16xf32> to vector<16xf32>
      %add3A_22 = arith.addf %add3A, %get3A_21 : vector<16xf32>
      %get3A_23 = arith.constant 32 : index
      %get3A_24 = tpu.vector_load %arg8[%get3A_23] {strides = array<i32>} : memref<128xf32, #tpu.memory_space<vmem>>, vector<16xf32>,
      %get3A_25 = vector.shape_cast %get3A_24 : vector<16xf32> to vector<16xf32>
      %add3A_26 = arith.addf %add3A_22, %get3A_25 : vector<16xf32>
      %get3A_27 = arith.constant 48 : index
      %get3A_28 = tpu.vector_load %arg8[%get3A_27] {strides = array<i32>} : memref<128xf32, #tpu.memory_space<vmem>>, vector<16xf32>,
      %get3A_29 = vector.shape_cast %get3A_28 : vector<16xf32> to vector<16xf32>
      %add3A_30 = arith.addf %add3A_26, %get3A_29 : vector<16xf32>
      %get3A_31 = arith.constant 64 : index
      %get3A_32 = tpu.vector_load %arg8[%get3A_31] {strides = array<i32>} : memref<128xf32, #tpu.memory_space<vmem>>, vector<16xf32>,
      %get3A_33 = vector.shape_cast %get3A_32 : vector<16xf32> to vector<16xf32>
      %add3A_34 = arith.addf %add3A_30, %get3A_33 : vector<16xf32>
      %get3A_35 = arith.constant 80 : index
      %get3A_36 = tpu.vector_load %arg8[%get3A_35] {strides = array<i32>} : memref<128xf32, #tpu.memory_space<vmem>>, vector<16xf32>,
      %get3A_37 = vector.shape_cast %get3A_36 : vector<16xf32> to vector<16xf32>
      %add3A_38 = arith.addf %add3A_34, %get3A_37 : vector<16xf32>
      %get3A_39 = arith.constant 96 : index
      %get3A_40 = tpu.vector_load %arg8[%get3A_39] {strides = array<i32>} : memref<128xf32, #tpu.memory_space<vmem>>, vector<16xf32>,
      %get3A_41 = vector.shape_cast %get3A_40 : vector<16xf32> to vector<16xf32>
      %add3A_42 = arith.addf %add3A_38, %get3A_41 : vector<16xf32>
      %get3A_43 = arith.constant 112 : index
      %get3A_44 = tpu.vector_load %arg8[%get3A_43] {strides = array<i32>} : memref<128xf32, #tpu.memory_space<vmem>>, vector<16xf32>,
      %get3A_45 = vector.shape_cast %get3A_44 : vector<16xf32> to vector<16xf32>
      %add3A_46 = arith.addf %add3A_42, %get3A_45 : vector<16xf32>
      %swap3A = arith.constant 0 : index
      %swap3A_47 = tpu.vector_load %arg9[%swap3A] {strides = array<i32>} : memref<16xf32, #tpu.memory_space<vmem>>, vector<16xf32>,
      %swap3A_48 = vector.shape_cast %swap3A_47 : vector<16xf32> to vector<16xf32>
      %swap3A_49 = vector.shape_cast %add3A_46 : vector<16xf32> to vector<16xf32>
      tpu.vector_store %arg9[%swap3A], %swap3A_49 {strides = array<i32>} : memref<16xf32, #tpu.memory_space<vmem>>, vector<16xf32>,
      "tpu.region"() ({
        %run_scoped3A = tpu.sem_alloc : memref<!tpu.dma_semaphore, #tpu.memory_space<semaphore_mem>>
        %dma_start3A = arith.constant 0 : i32
        %dma_start3A_50 = tpu.memref_slice %arg5[%arg1, %dma_start3A] : memref<2x16xf32, #tpu.memory_space<hbm>> -> memref<1x16xf32, #tpu.memory_space<hbm>>
        %dma_start3A_51 = tpu.memref_squeeze %dma_start3A_50 : memref<1x16xf32, #tpu.memory_space<hbm>> -> memref<16xf32, #tpu.memory_space<hbm>>
        %dma_start3A_52 = arith.constant 0 : i32
        %dma_start3A_53 = tpu.memref_slice %arg5[%arg1, %dma_start3A_52] : memref<2x16xf32, #tpu.memory_space<hbm>> -> memref<1x16xf32, #tpu.memory_space<hbm>>
        %dma_start3A_54 = tpu.memref_squeeze %dma_start3A_53 : memref<1x16xf32, #tpu.memory_space<hbm>> -> memref<16xf32, #tpu.memory_space<hbm>>
        tpu.enqueue_dma source(%arg9 : memref<16xf32, #tpu.memory_space<vmem>>) target(%dma_start3A_54 : memref<16xf32, #tpu.memory_space<hbm>>) target_semaphore(%run_scoped3A : memref<!tpu.dma_semaphore, #tpu.memory_space<semaphore_mem>>)
        %dma_wait3A = arith.constant 0 : i32
        %dma_wait3A_55 = tpu.memref_slice %arg5[%arg1, %dma_wait3A] : memref<2x16xf32, #tpu.memory_space<hbm>> -> memref<1x16xf32, #tpu.memory_space<hbm>>
        %dma_wait3A_56 = tpu.memref_squeeze %dma_wait3A_55 : memref<1x16xf32, #tpu.memory_space<hbm>> -> memref<16xf32, #tpu.memory_space<hbm>>
        %dma_wait3A_57 = arith.constant 0 : i32
        %dma_wait3A_58 = tpu.memref_slice %arg5[%arg1, %dma_wait3A_57] : memref<2x16xf32, #tpu.memory_space<hbm>> -> memref<1x16xf32, #tpu.memory_space<hbm>>
        %dma_wait3A_59 = tpu.memref_squeeze %dma_wait3A_58 : memref<1x16xf32, #tpu.memory_space<hbm>> -> memref<16xf32, #tpu.memory_space<hbm>>
        tpu.wait_dma2 semaphore(%run_scoped3A : memref<!tpu.dma_semaphore, #tpu.memory_space<semaphore_mem>>) src(%arg9 : memref<16xf32, #tpu.memory_space<vmem>>) dst(%dma_wait3A_59 : memref<16xf32, #tpu.memory_space<hbm>>)
        tpu.yield
      }) : () -> ()
    } else {
    }
    return
  }
}

module attributes {stable_mosaic.version = 14 : i64} {
  func.func @body(%arg0: memref<128x8192xf32, #tpu.memory_space<vmem>>, %arg1: memref<128x8192xf32, #tpu.memory_space<vmem>>, %arg2: memref<1x1xf32, #tpu.memory_space<smem>>) attributes {dimension_semantics = [], scalar_prefetch = 0 : i64, scratch_operands = 0 : i64, tpu.core_type = #tpu.core_type<tc>} {
    %get3A = arith.constant 0 : index
    %get3A_0 = arith.constant 0 : index
    %get3A_1 = vector.load %arg0[%get3A, %get3A_0] : memref<128x8192xf32, #tpu.memory_space<vmem>>, vector<128x8192xf32>
    %exp3A = math.exp %get3A_1 : vector<128x8192xf32>
    %reduce_sum3A = arith.constant dense<0.000000e+00> : vector<128xf32>
    %reduce_sum3A_2 = vector.multi_reduction <add>, %exp3A, %reduce_sum3A [1] : vector<128x8192xf32> to vector<128xf32>
    %log3A = math.log %reduce_sum3A_2 : vector<128xf32>
    %get3A_3 = arith.constant 0 : index
    %get3A_4 = arith.constant 0 : index
    %get3A_5 = vector.load %arg1[%get3A_3, %get3A_4] : memref<128x8192xf32, #tpu.memory_space<vmem>>, vector<128x8192xf32>
    %exp3A_6 = math.exp %get3A_5 : vector<128x8192xf32>
    %reduce_sum3A_7 = arith.constant dense<0.000000e+00> : vector<128xf32>
    %reduce_sum3A_8 = vector.multi_reduction <add>, %exp3A_6, %reduce_sum3A_7 [1] : vector<128x8192xf32> to vector<128xf32>
    %log3A_9 = math.log %reduce_sum3A_8 : vector<128xf32>
    %reduce_sum3A_10 = vector.shape_cast %log3A : vector<128xf32> to vector<1x128xf32>
    %reduce_sum3A_11 = arith.constant dense<0.000000e+00> : vector<1xf32>
    %reduce_sum3A_12 = vector.multi_reduction <add>, %reduce_sum3A_10, %reduce_sum3A_11 [1] : vector<1x128xf32> to vector<1xf32>
    %reduce_sum3A_13 = vector.shape_cast %reduce_sum3A_12 : vector<1xf32> to vector<1x1xf32>
    %reduce_sum3A_14 = vector.extract %reduce_sum3A_13[0, 0] : f32 from vector<1x1xf32>
    %reduce_sum3A_15 = vector.shape_cast %log3A_9 : vector<128xf32> to vector<1x128xf32>
    %reduce_sum3A_16 = arith.constant dense<0.000000e+00> : vector<1xf32>
    %reduce_sum3A_17 = vector.multi_reduction <add>, %reduce_sum3A_15, %reduce_sum3A_16 [1] : vector<1x128xf32> to vector<1xf32>
    %reduce_sum3A_18 = vector.shape_cast %reduce_sum3A_17 : vector<1xf32> to vector<1x1xf32>
    %reduce_sum3A_19 = vector.extract %reduce_sum3A_18[0, 0] : f32 from vector<1x1xf32>
    %add3A = arith.addf %reduce_sum3A_14, %reduce_sum3A_19 : f32
    %swap3A = arith.constant 0 : index
    %swap3A_20 = arith.constant 0 : index
    %swap3A_21 = memref.load %arg2[%swap3A, %swap3A_20] : memref<1x1xf32, #tpu.memory_space<smem>>
    memref.store %add3A, %arg2[%swap3A, %swap3A_20] : memref<1x1xf32, #tpu.memory_space<smem>>
    return
  }
}

</mosaic_0001>

<sc_bundles>
// kernel: kernel.4.cloned.1.call-start
scs
__scs_entry_jumppad:
0x0: {  	(pc) =	sbr.rel $0x88, $3  }
0x1: {  	(tag) =	ssettag $0x0;
	lr =	simm.s32 $0x1  }
0x2: {  	[smem:$0x3F9E] =	sst lr;
	_ =	strace $0xD0000000  }
0x3: {  	_ = 	snop  }
0x4: {  	_ = 	snop  }
0x5: {  	_ = 	snop  }
0x6: {  	_ = 	snop  }
0x7: {  	_ = 	snop  }
__scs_overlays_trampoline_lowered:
0x8: {  	[smem:$0x3FAD] =	sst s0  }
0x9: {  	[smem:$0x3FAE] =	sst s1  }
0xa: {  	[smem:$0x3FAF] =	sst s2  }
0xb: {  	[smem:$0x3FB0] =	sst s3  }
0xc: {  	[smem:$0x3FB1] =	sst s4  }
0xd: {  	[smem:$0x3FB2] =	sst s5  }
0xe: {  	[smem:$0x3FB3] =	sst s6  }
0xf: {  	[smem:$0x3FB4] =	sst s7  }
0x10: {  	[smem:$0x3FB5] =	sst s8  }
0x11: {  	[smem:$0x3FB6] =	sst s9;
	s0 =	simm.s32 @!p0 $0x0  }
0x12: {  	s1 =	sld [smem:$0x3F9C];
	s0 =	simm.s32 @p0 $0x1  }
0x13: {  	[smem:$0x3FB7] =	sst s0;
	s0 =	simm.s32 @!p1 $0x0  }
0x14: {  	s2 =	sld [smem:$0x3F9B];
	s0 =	simm.s32 @p1 $0x1  }
0x15: {  	[smem:$0x3FB8] =	sst s0;
	s0 =	simm.s32 @!p2 $0x0  }
0x16: {  	s3 =	sld [smem:$0x3FDB];
	s0 =	simm.s32 @p2 $0x1  }
0x17: {  	s4 =	simm.s32 $0x1BF5;
	[smem:$0x3FBA] =	sst s0  }
0x18: {  	s0 =	sld [smem:$0x3F9D];
	_ =	swait.ge [sflag:s4], $0x0  }
0x19: {  	s7 =	sld [smem:$0x3F9E]  }
0x1a: {  	s8 =	sadd.s32 $0xFFFFE003, lr  }
0x1b: {  	s9 =	sadd.s32 $0xFFFFFEF7, lr;
	s5 =	simm.s32 $0xFFFFFFFF;
	p2 =	slt.u32 s8, $0xFFFFF086  }
0x1c: {  	p1 =	slt.u32 s9, $0xF7A;
	s5 =	simm.s32 @!p2 $0x0  }
0x1d: {  	s5 =	simm.s32 @p1 $0x1;
	p0 =	seq.s32 s7, s2  }
0x1e: {  	s7 =	smul.u32 @!p0 $0xF7A, s2;
	p2 =	seq.s32 @!p0 s5, $0x0  }
0x1f: {  	s9 =	smul.u32 $0xF7A, s1;
	s8 =	simm.s32 @!p0 $0x1BF5;
	p2 =	por !p2, p0  }
0x20: {  	[sflag:s8] =	ssyncset.s32 @!p0 $0xFFFFF086;
	s6 =	sadd.s32 @!p0 s3, s7;
	s7 =	simm.s32 @!p0 $0x108  }
0x21: {  	s3 =	sadd.s32 s3, s9;
	s6 =	sadd.s32 @!p0 $0x88, s6;
	s7 =	simm.s32 @p2 $0x1082  }
0x22: {  	[simem:s7], [sflag:s8] =	dma.local @!p0 [hbm:s6], $0xF7A  }
0x23: {  	s9 =	sor.u32 $0xD0000000, s2;
	s6 =	simm.s32 $0x108;
	_ =	swait.ge @!p0 [sflag:s8], $0x0  }
0x24: {  	s3 =	sadd.s32 $0x88, s3;
	s6 =	simm.s32 @!p1 $0x1082;
	[sflag:s4] =	ssyncset.s32 $0xFFFFF086  }
0x25: {  	[simem:s6], [sflag:s4] =	dma.local [hbm:s3], $0xF7A  }
0x26: {  	[smem:$0x3F9E] =	sst s1;
	(tag) =	ssettag s2;
	_ =	strace s9  }
0x27: {  	s1 =	sld [smem:$0x3FAE]  }
0x28: {  	s2 =	sld [smem:$0x3FAF]  }
0x29: {  	s4 =	sld [smem:$0x3FB1]  }
0x2a: {  	p0 =	seq.s32 s5, $0x0;
	s5 =	sld [smem:$0x3FB2]  }
0x2b: {  	s6 =	sld [smem:$0x3FB3]  }
0x2c: {  	s7 =	sld [smem:$0x3FB4]  }
0x2d: {  	s3 =	simm.s32 $0x108;
	s8 =	sld [smem:$0x3FB5]  }
0x2e: {  	s3 =	simm.s32 @!p0 $0x1082;
	s9 =	sld [smem:$0x3FB6]  }
0x2f: {  	lr =	sadd.s32 s0, s3;
	s0 =	sld [smem:$0x3FAD]  }
0x30: {  	s3 =	sld [smem:$0x3FB0]  }
0x31: {  	[smem:$0x3FB9] =	sst s10  }
0x32: {  	s10 =	sld [smem:$0x3FB7];
	_ =	sdelay $0x3  }
0x33: {  	p0 =	seq.s32 s10, $0x1;
	s10 =	sld [smem:$0x3FB9];
	_ =	sdelay $0x3  }
0x34: {  	[smem:$0x3FB9] =	sst s10  }
0x35: {  	s10 =	sld [smem:$0x3FB8];
	_ =	sdelay $0x3  }
0x36: {  	p1 =	seq.s32 s10, $0x1;
	s10 =	sld [smem:$0x3FB9];
	_ =	sdelay $0x3  }
0x37: {  	[smem:$0x3FB9] =	sst s10  }
0x38: {  	s10 =	sld [smem:$0x3FBA]  }
0x39: {  	_ = 	snop;
	(pc) =	sbr.ind lr, $3  }
0x3a: {  	_ = 	snop  }
0x3b: {  	_ = 	snop  }
0x3c: {  	p2 =	seq.s32 s10, $0x1;
	s10 =	sld [smem:$0x3FB9]  }
0x3d: {  	_ =	shalt  }
0x3e: {  	_ =	shalt  }
0x3f: {  	_ =	shalt  }
0x40: {  	_ =	shalt  }
0x41: {  	_ =	shalt  }
0x42: {  	_ =	shalt  }
0x43: {  	_ =	shalt  }
0x44: {  	_ =	shalt  }
0x45: {  	_ =	shalt  }
0x46: {  	_ =	shalt  }
0x47: {  	_ =	shalt  }
0x48: {  	_ =	shalt  }
0x49: {  	_ =	shalt  }
0x4a: {  	_ =	shalt  }
0x4b: {  	_ =	shalt  }
0x4c: {  	_ =	shalt  }
0x4d: {  	_ =	shalt  }
0x4e: {  	_ =	shalt  }
0x4f: {  	_ =	shalt  }
0x50: {  	_ =	shalt  }
0x51: {  	_ =	shalt  }
0x52: {  	_ =	shalt  }
0x53: {  	_ =	shalt  }
0x54: {  	_ =	shalt  }
0x55: {  	_ =	shalt  }
0x56: {  	_ =	shalt  }
0x57: {  	_ =	shalt  }
0x58: {  	_ =	shalt  }
0x59: {  	_ =	shalt  }
0x5a: {  	_ =	shalt  }
0x5b: {  	_ =	shalt  }
0x5c: {  	_ =	shalt  }
0x5d: {  	_ =	shalt  }
0x5e: {  	_ =	shalt  }
0x5f: {  	_ =	shalt  }
0x60: {  	_ =	shalt  }
0x61: {  	_ =	shalt  }
0x62: {  	_ =	shalt  }
0x63: {  	_ =	shalt  }
0x64: {  	_ =	shalt  }
0x65: {  	_ =	shalt  }
0x66: {  	_ =	shalt  }
0x67: {  	_ =	shalt  }
0x68: {  	_ =	shalt  }
0x69: {  	_ =	shalt  }
0x6a: {  	_ =	shalt  }
0x6b: {  	_ =	shalt  }
0x6c: {  	_ =	shalt  }
0x6d: {  	_ =	shalt  }
0x6e: {  	_ =	shalt  }
0x6f: {  	_ =	shalt  }
0x70: {  	_ =	shalt  }
0x71: {  	_ =	shalt  }
0x72: {  	_ =	shalt  }
0x73: {  	_ =	shalt  }
0x74: {  	_ =	shalt  }
0x75: {  	_ =	shalt  }
0x76: {  	_ =	shalt  }
0x77: {  	_ =	shalt  }
0x78: {  	_ =	shalt  }
0x79: {  	_ =	shalt  }
0x7a: {  	_ =	shalt  }
0x7b: {  	_ =	shalt  }
0x7c: {  	_ =	shalt  }
0x7d: {  	_ =	shalt  }
0x7e: {  	_ =	shalt  }
0x7f: {  	_ =	shalt  }
0x80: {  	_ =	shalt  }
0x81: {  	_ =	shalt  }
0x82: {  	_ =	shalt  }
0x83: {  	_ =	shalt  }
0x84: {  	_ =	shalt  }
0x85: {  	_ =	shalt  }
0x86: {  	_ =	shalt  }
0x87: {  	_ =	shalt  }
.Lfunc_end0:
.L_simem_size_0:
called_computation_lowered:
.L_overlay_start_0:
0x88: {  	s0 =	sld [smem:$0x3FD9]  }
0x89: {  	s1 =	sld [smem:$0x3FFE];
	_ =	sdelay $0x3  }
0x8a: {  	s0 =	sadd.s32 s1, s0  }
0x8b: {  	[smem:$0x3FC5] =	sst s0  }
0x8c: {  	_ = 	snop  }
0x8d: {  	s0 =	sld [smem:$0x3FC9]  }
0x8e: {  	s16 =	sld [smem:$0x3FC8]  }
0x8f: {  	s2 =	sld [smem:$0x3FC7];
	(tm) =	ssettm $0x1  }
0x90: {  	s3 =	sld [smem:$0x3FFB];
	_ =	sdelay $0x3  }
0x91: {  	_ =	strace s3  }
0x92: {  	s3 =	sld [smem:$0x3FFC];
	_ =	sdelay $0x3  }
0x93: {  	_ =	strace s3  }
0x94: {  	s3 =	sld [smem:$0x3FFD];
	_ =	sdelay $0x3  }
0x95: {  	_ =	strace s3  }
0x96: {  	_ =	strace $0x8FFFFFFF  }
0x97: {  	s17 =	sld [smem:$0x3FDB];
	_ =	sdelay $0x1  }
0x98: {  	s4 =	simm.s32 $_scs_section_size  }
0x99: {  	s5 =	simm.s32 $_size__tile_overlayer_lowered;
	s6 =	simm.s32 $_tile_overlayer_lowered  }
0x9a: {  	s20 =	simm.s32 $0x1BFF;
	s19 =	sshll.u32 s6, $0x1;
	s3 =	sadd.s32 s4, s17  }
0x9b: {  	s7 =	simm.s32 $0x0;
	s18 =	sshll.u32 s5, $0x1;
	s5 =	sadd.s32 s19, s3  }
0x9c: {  	[timem:s7], [sflag:s20] =	dma.local [hbm:s5], s18  }
0x9d: {  	_ =	swait.ge [sflag:s20], s18  }
0x9e: {  	s4 =	ssub.s32 $0x0, s18;
	[sflag:s20] =	ssyncset.done $0x0  }
0x9f: {  	[sflag:s20] =	ssyncadd.s32 s4;
	_ =	sdelay $0x1  }
0xa0: {  	s21 =	simm.s32 $0x1B8B  }
0xa1: {  	_ =	swait.ge [sflag:s21], $0x1  }
0xa2: {  	[sflag:s21] =	ssyncset.done $0x0  }
0xa3: {  	s23 =	simm.s32 $0x1B8E;
	s22 =	sld [smem:$0x3FFE];
	[sflag:s21] =	ssyncadd.s32 $0xFFFFFFFF  }
0xa4: {  	s24 =	simm.s32 $execute0_lowered;
	[smem:$0x3FD2] =	sst s23  }
0xa5: {  	s5 =	sshll.u32 s24, $0x1;
	_ =	strace $0x80000046;
	[dreg:$0x1] =	wrdreg $0xFFFFFFFF  }
0xa6: {  	s25 =	simm.s32 $_size_execute0_lowered;
	s3 =	sadd.s32 s3, s5;
	[dreg:$0x0] =	wrdreg $0x0  }
0xa7: {  	s5 =	sshll.u32 s25, $0x1;
	[dreg:$0x2] =	wrdreg s3  }
0xa8: {  	[dreg:$0x3] =	wrdreg s5  }
0xa9: {  	[dreg:$0x4] =	wrdreg $0xC0  }
0xaa: {  	_ =	task [dreg:s7], $0x5FFFF  }
0xab: {  	[dreg:$0x1] =	wrdreg $0xFFFFFFFF  }
0xac: {  	[dreg:$0x0] =	wrdreg $0x60  }
0xad: {  	[dreg:$0x2] =	wrdreg s2  }
0xae: {  	[dreg:$0x3] =	wrdreg s0  }
0xaf: {  	[dreg:$0x4] =	wrdreg s16  }
0xb0: {  	[dreg:$0x5] =	wrdreg s22  }
0xb1: {  	[dreg:$0x6] =	wrdreg $0x9  }
0xb2: {  	_ =	task.clear_ibuf [dreg:s7], $0x7FFFF;
	_ =	strace $0x90000046  }
0xb3: {  	s26 =	simm.s32 $0x9;
	_ =	strace $0x80000048  }
0xb4: {  	_ =	swait.ge [sflag:s26], $0x1  }
0xb5: {  	[sflag:s26] =	ssyncadd.s32 $0xFFFFFFFF  }
0xb6: {  	_ =	strace $0x90000048  }
0xb7: {  	_ =	sfence  }
0xb8: {  	s28 =	sld [smem:$0x0];
	_ =	sdelay $0x1  }
0xb9: {  	s29 =	srdreg.scid  }
0xba: {  	s30 =	sshll.u32 s29, $0xD;
	s31 =	sshrl.u32 s29, $0x2  }
0xbb: {  	s1 =	sand.u32 $0x1, s29;
	s2 =	sand.u32 $0x4000, s30;
	s0 =	sadd.s32 s31, s28  }
0xbc: {  	s1 =	sor.u32 s2, s1;
	s0 =	sshll.u32 s0, $0x11  }
0xbd: {  	s0 =	sor.u32 s0, s1  }
0xbe: {  	s0 =	sadd.s32 $0x8F2B, s0  }
0xbf: {  	[sflag:s0] =	ssyncadd.remote.s32 $0x1  }
0xc0: {  	_ =	sfence.sel $0xFFFF  }
0xc1: {  	[dreg:$0x0] =	wrdreg $0xFFFFFFFF;
	(pc) =	sbr.abs _section_cstart, $3  }
0xc2: {  	[dreg:$0x1] =	wrdreg $0xFFFFFFFF  }
0xc3: {  	_ =	task.clear_ibuf [dreg:s7], $0x2FFFF;
	_ =	strace $0x9FFFFFFF  }
0xc4: {  	(tm) =	ssettm $0x7FFFFFFF  }
0xc5: {  	_ =	shalt  }
tec
execute0_lowered:
.L_overlay_start_1:
0x0: {  	(tag) =	ssettag $0x1  }
0x1: {  	s1 =	stileid.u32  }
0x2: {  	s6 =	rddreg [dreg:$0x0];
	p0 =	sgt.u32 s1, $0x1  }
.Ltmp0:
0x3: {  	s5 =	rddreg [dreg:$0x1];
	(pc) =	sbr.rel @p0 .LBB2_2-.Ltmp0, $4  }
0x4: {  	s4 =	rddreg [dreg:$0x2]  }
0x5: {  	s2 =	rddreg [dreg:$0x3];
	s7 =	simm.s32 $0x0  }
0x6: {  	[smem:$0x7FF] =	sst s7  }
0x7: {  	s0 =	rddreg [dreg:$0x4];
	s3 =	sshll.u32 s1, $0x4;
	_ =	strace $0x80000047  }
0x8: {  	v1 =	vimm.s32 $0x10380;
	vm14 =	vcmask $0x300  }
0x9: {  	vm13 =	vcmask $0x704;
	vm12 =	vcmask $0xB08;
	vm11 =	vcmask $0xF0C  }
0xa: {  	vm8 =	vcmask $0x1310;
	vm9 =	vcmask $0x1714;
	vm10 =	vcmask $0x1B18  }
0xb: {  	vm7 =	vcmask $0x1F1C;
	v3 =	vimm.s32 $0x30380;
	vm5 =	vcmask $0x2320  }
0xc: {  	vm4 =	vcmask $0x2724;
	vm2 =	vcmask $0x2B28;
	vm1 =	vcmask $0x2F2C  }
0xd: {  	vm0 =	vcmask $0x3330;
	vm3 =	vcmask $0x3734;
	v4 =	vimm.s32 $0x50380  }
0xe: {  	vm6 =	vcmask $0x3B38;
	v40 =	vimm.s32 $0x70380;
	v6 =	vimm.s32 $0x90380  }
0xf: {  	v8 =	vimm.s32 $0xB0380;
	v49 =	vimm.s32 $0xD0380;
	v51 =	vimm.s32 $0xF0380  }
0x10: {  	v1 =	vsel vm14, $0x0, v1;
	v3 =	vsel vm14, $0x20000, v3;
	v4 =	vsel vm14, $0x40000, v4  }
0x11: {  	s6 =	sadd.s32 s6, s3;
	s31 =	simm.s32 $0x2;
	v6 =	vsel vm14, $0x80000, v6;
	v8 =	vsel vm14, $0xA0000, v8;
	v1 =	vsel vm13, $0x80, v1  }
0x12: {  	[tilespmem:s7], [sflag:$0x2] =	stream.linear.gather [hbm4b:s6+s7], $0x80, $0x38;
	v3 =	vsel vm13, $0x20080, v3;
	v4 =	vsel vm13, $0x40080, v4;
	v6 =	vsel vm13, $0x80080, v6;
	[tilespmem:$0x200] =	vst v63  }
0x13: {  	_ =	swait.ge [sflag:s31], $0x80;
	v8 =	vsel vm13, $0xA0080, v8;
	v1 =	vsel vm12, $0x100, v1;
	v3 =	vsel vm12, $0x20100, v3  }
0x14: {  	[sflag:s31] =	ssyncset.done $0x0;
	v4 =	vsel vm12, $0x40100, v4;
	v6 =	vsel vm12, $0x80100, v6;
	v8 =	vsel vm12, $0xA0100, v8  }
0x15: {  	[sflag:s31] =	ssyncadd.s32 $0xFFFFFF80;
	v1 =	vsel vm11, $0x180, v1;
	v3 =	vsel vm11, $0x20180, v3;
	v38 =	vsel vm11, $0x40180, v4  }
0x16: {  	v6 =	vsel vm11, $0x80180, v6;
	v47 =	vsel vm11, $0xA0180, v8;
	v8 =	vsel vm14, $0xC0000, v49;
	v0 =	vld [tilespmem:$0x0]  }
0x17: {  	v1 =	vsel vm8, $0x200, v1;
	v3 =	vsel vm8, $0x20200, v3;
	v6 =	vsel vm8, $0x80200, v6  }
0x18: {  	v8 =	vsel vm13, $0xC0080, v8;
	v1 =	vsel vm9, $0x280, v1;
	v35 =	vsel vm9, $0x20280, v3  }
0x19: {  	v36 =	vld [tilespmem:$0x10];
	v50 =	vsel vm12, $0xC0100, v8;
	v8 =	vsel vm14, $0xE0000, v51;
	v1 =	vsel vm10, $0x300, v1  }
0x1a: {  	v43 =	vsel vm9, $0x80280, v6;
	v8 =	vsel vm13, $0xE0080, v8;
	v1 =	vsel vm7, $0x380, v1  }
0x1b: {  	v5 =	vld [tilespmem:$0x20];
	v8 =	vsel vm12, $0xE0100, v8;
	v1 =	vsel vm5, $0x10000, v1;
	v2 =	vshll.u32 v0, $0x3  }
0x1c: {  	v8 =	vsel vm11, $0xE0180, v8;
	v0 =	vand.u32 $0x7F, v0;
	v2 =	vand.u32 $0xFFFFFC00, v2  }
0x1d: {  	v1 =	vsel vm4, $0x10080, v1;
	v0 =	vor.u32 v0, v2;
	v2 =	vsel vm10, $0x20300, v35  }
0x1e: {  	v39 =	vshll.u32 v36, $0x3;
	v1 =	vsel vm2, $0x10100, v1;
	v2 =	vsel vm7, $0x20380, v2  }
0x1f: {  	v7 =	vld [tilespmem:$0x30];
	v3 =	vand.u32 $0x7F, v36;
	v1 =	vsel vm1, $0x10180, v1;
	v2 =	vsel vm5, $0x30000, v2  }
0x20: {  	v41 =	vshll.u32 v5, $0x3;
	v1 =	vsel vm0, $0x10200, v1;
	v2 =	vsel vm4, $0x30080, v2  }
0x21: {  	v1 =	vsel vm3, $0x10280, v1;
	v37 =	vsel vm2, $0x30100, v2;
	v2 =	vsel vm8, $0x40200, v38  }
0x22: {  	v5 =	vand.u32 $0x7F, v5;
	v1 =	vsel vm6, $0x10300, v1;
	v2 =	vsel vm9, $0x40280, v2  }
0x23: {  	v0 =	vadd.s32 v1, v0;
	v1 =	vsel vm1, $0x30180, v37;
	v2 =	vsel vm10, $0x40300, v2  }
0x24: {  	v42 =	vld [tilespmem:$0x40];
	v44 =	vshll.u32 v7, $0x3;
	v1 =	vsel vm0, $0x30200, v1;
	v2 =	vsel vm7, $0x40380, v2  }
0x25: {  	v4 =	vand.u32 $0xFFFFFC00, v39;
	v1 =	vsel vm3, $0x30280, v1;
	v2 =	vsel vm5, $0x50000, v2  }
0x26: {  	v3 =	vor.u32 v3, v4;
	v1 =	vsel vm6, $0x30300, v1;
	v2 =	vsel vm4, $0x50080, v2  }
0x27: {  	v1 =	vadd.s32 v1, v3;
	v3 =	vsel vm14, $0x60000, v40;
	v2 =	vsel vm2, $0x50100, v2  }
0x28: {  	v46 =	vld [tilespmem:$0x50];
	v7 =	vand.u32 $0x7F, v7;
	v3 =	vsel vm13, $0x60080, v3;
	v2 =	vsel vm1, $0x50180, v2  }
0x29: {  	v45 =	vshll.u32 v42, $0x3;
	v3 =	vsel vm12, $0x60100, v3;
	v2 =	vsel vm0, $0x50200, v2  }
0x2a: {  	v4 =	vand.u32 $0xFFFFFC00, v41;
	v3 =	vsel vm11, $0x60180, v3;
	v2 =	vsel vm3, $0x50280, v2  }
0x2b: {  	v4 =	vor.u32 v5, v4;
	v3 =	vsel vm8, $0x60200, v3;
	v2 =	vsel vm6, $0x50300, v2  }
0x2c: {  	v3 =	vsel vm9, $0x60280, v3;
	v2 =	vadd.s32 v2, v4;
	v4 =	vsel vm10, $0x80300, v43  }
0x2d: {  	v48 =	vshll.u32 v46, $0x3;
	v3 =	vsel vm10, $0x60300, v3;
	v4 =	vsel vm7, $0x80380, v4  }
0x2e: {  	v8 =	vsel vm8, $0xE0200, v8;
	v3 =	vsel vm7, $0x60380, v3;
	v4 =	vsel vm5, $0x90000, v4  }
0x2f: {  	v6 =	vand.u32 $0xFFFFFC00, v44;
	v3 =	vsel vm5, $0x70000, v3;
	v4 =	vsel vm4, $0x90080, v4  }
0x30: {  	v6 =	vor.u32 v7, v6;
	v3 =	vsel vm4, $0x70080, v3;
	v4 =	vsel vm2, $0x90100, v4  }
0x31: {  	v7 =	vand.u32 $0xFFFFFC00, v45;
	v3 =	vsel vm2, $0x70100, v3;
	v4 =	vsel vm1, $0x90180, v4  }
0x32: {  	v5 =	vand.u32 $0x7F, v42;
	v3 =	vsel vm1, $0x70180, v3;
	v4 =	vsel vm0, $0x90200, v4  }
0x33: {  	v9 =	vld [tilespmem:$0x60];
	v5 =	vor.u32 v5, v7;
	v3 =	vsel vm0, $0x70200, v3;
	v4 =	vsel vm3, $0x90280, v4  }
0x34: {  	v7 =	vand.u32 $0x7F, v46;
	v3 =	vsel vm3, $0x70280, v3;
	v4 =	vsel vm6, $0x90300, v4  }
0x35: {  	v10 =	vld [tilespmem:$0x70];
	v3 =	vsel vm6, $0x70300, v3;
	v4 =	vadd.s32 v4, v5;
	v5 =	vsel vm8, $0xA0200, v47  }
0x36: {  	v3 =	vadd.s32 v3, v6;
	v6 =	vand.u32 $0xFFFFFC00, v48;
	v5 =	vsel vm9, $0xA0280, v5  }
0x37: {  	v6 =	vor.u32 v7, v6;
	v7 =	vsel vm11, $0xC0180, v50;
	v5 =	vsel vm10, $0xA0300, v5  }
0x38: {  	v54 =	vshll.u32 v9, $0x3;
	v7 =	vsel vm8, $0xC0200, v7;
	v5 =	vsel vm7, $0xA0380, v5  }
0x39: {  	v57 =	vand.u32 $0x7F, v9;
	v7 =	vsel vm9, $0xC0280, v7;
	v5 =	vsel vm5, $0xB0000, v5  }
0x3a: {  	v58 =	vshll.u32 v10, $0x3;
	v7 =	vsel vm10, $0xC0300, v7;
	v5 =	vsel vm4, $0xB0080, v5  }
0x3b: {  	v8 =	vsel vm9, $0xE0280, v8;
	v7 =	vsel vm7, $0xC0380, v7;
	v5 =	vsel vm2, $0xB0100, v5  }
0x3c: {  	v8 =	vsel vm10, $0xE0300, v8;
	v7 =	vsel vm5, $0xD0000, v7;
	v5 =	vsel vm1, $0xB0180, v5  }
0x3d: {  	v8 =	vsel vm7, $0xE0380, v8;
	v7 =	vsel vm4, $0xD0080, v7;
	v5 =	vsel vm0, $0xB0200, v5  }
0x3e: {  	v53 =	vsel vm5, $0xF0000, v8;
	v7 =	vsel vm2, $0xD0100, v7;
	v5 =	vsel vm3, $0xB0280, v5  }
0x3f: {  	[tilespmem:$0x80] =	vst v0;
	v52 =	vsel vm1, $0xD0180, v7;
	v7 =	vsel vm4, $0xF0080, v53;
	v5 =	vsel vm6, $0xB0300, v5  }
0x40: {  	[tilespmem:$0x90] =	vst v1;
	v56 =	vsel vm2, $0xF0100, v7;
	v5 =	vadd.s32 v5, v6;
	v6 =	vsel vm0, $0xD0200, v52  }
0x41: {  	v0 =	vand.u32 $0xFFFFFC00, v54;
	[tilespmem:$0xA0] =	vst v2;
	v55 =	vsel vm3, $0xD0280, v6;
	v6 =	vsel vm1, $0xF0180, v56  }
0x42: {  	v60 =	vand.u32 $0x7F, v10;
	v0 =	vor.u32 v57, v0;
	[tilespmem:$0xB0] =	vst v3;
	v59 =	vsel vm0, $0xF0200, v6  }
0x43: {  	v2 =	vand.u32 $0xFFFFFC00, v58;
	[tilespmem:$0xC0] =	vst v4;
	v1 =	vsel vm6, $0xD0300, v55;
	v3 =	vsel vm3, $0xF0280, v59  }
0x44: {  	v61 =	vor.u32 v60, v2;
	[tilespmem:$0xD0] =	vst v5;
	v0 =	vadd.s32 v1, v0;
	v62 =	vsel vm6, $0xF0300, v3  }
0x45: {  	[tilespmem:$0xE0] =	vst v0;
	v63 =	vadd.s32 v62, v61  }
0x46: {  	[tilespmem:$0xF0] =	vst v63  }
.LBB2_2:
0x47: {  	p0 =	seq.s32 s1, $0x0  }
.Ltmp1:
0x48: {  	_ = 	snop;
	(pc) =	sbr.rel @p0 .LBB2_5-.Ltmp1, $1  }
0x49: {  	_ =	sdelay $0x3  }
0x4a: {  	p0 =	sne.s32 s1, $0x1  }
.Ltmp2:
0x4b: {  	_ = 	snop;
	(pc) =	sbr.rel @p0 .LBB2_6-.Ltmp2, $1  }
0x4c: {  	_ =	sdelay $0x3  }
0x4d: {  	s5 =	smov.u32 s4  }
.LBB2_5:
0x4e: {  	s4 =	simm.s32 $0x80;
	s6 =	simm.s32 $0x100;
	s28 =	simm.s32 $0x1  }
0x4f: {  	[tilespmem:s6], [sflag:$0x1] =	stream.indirect.gather [hbm4b:s5+s4], $0x1, s4, s4, $0xb8;
	[tilespmem:$0x200] =	vst v63  }
0x50: {  	_ =	swait.ge [sflag:s28], $0x80  }
0x51: {  	[sflag:s28] =	ssyncset.done $0x0  }
0x52: {  	[sflag:s28] =	ssyncadd.s32 $0xFFFFFF80  }
0x53: {  	v0 =	vld [tilespmem:$0x100];
	_ =	sdelay $0x1  }
0x54: {  	v1 =	vld [tilespmem:$0x110];
	_ =	sdelay $0x1  }
0x55: {  	v2 =	vld [tilespmem:$0x120]  }
0x56: {  	v0 =	vadd.f32 $0.0e+00, v0  }
0x57: {  	v3 =	vld [tilespmem:$0x130]  }
0x58: {  	v0 =	vadd.f32 v1, v0  }
0x59: {  	v60 =	vld [tilespmem:$0x140]  }
0x5a: {  	v0 =	vadd.f32 v2, v0  }
0x5b: {  	v61 =	vld [tilespmem:$0x150]  }
0x5c: {  	v0 =	vadd.f32 v3, v0  }
0x5d: {  	v62 =	vld [tilespmem:$0x160]  }
0x5e: {  	v0 =	vadd.f32 v60, v0  }
0x5f: {  	v63 =	vld [tilespmem:$0x170]  }
0x60: {  	v0 =	vadd.f32 v61, v0;
	_ =	sdelay $0x1  }
0x61: {  	v0 =	vadd.f32 v62, v0;
	_ =	sdelay $0x1  }
0x62: {  	s3 =	sand.u32 $0x10, s3;
	v0 =	vadd.f32 v63, v0  }
0x63: {  	s29 =	simm.s32 $0x0;
	s2 =	sadd.s32 s3, s2  }
0x64: {  	s30 =	simm.s32 $0x180;
	s31 =	simm.s32 $0x2;
	s2 =	sadd.s32 $0x400, s2;
	[tilespmem:$0x180] =	vst v0  }
0x65: {  	[hbm4b:s2+s29] =	stream.linear.scatter [tilespmem:s30], [sflag:$0x2], $0x80, $0x38;
	[tilespmem:$0x200] =	vst v63  }
0x66: {  	_ =	swait.ge [sflag:s31], $0x80  }
0x67: {  	[sflag:s31] =	ssyncset.done $0x0  }
0x68: {  	[sflag:s31] =	ssyncadd.s32 $0xFFFFFF80  }
.LBB2_6:
0x69: {  	_ =	sfence.sel $0x180000  }
0x6a: {  	[bflag:$0x0] =	sbarrier.arrive $0xFFFF  }
0x6b: {  	p0 =	sne.s32 s1, $0x0;
	_ =	strace $0x90000047  }
0x6c: {  	s0 =	sadd.s32 @!p0 $0x100000, s0;
	[bflag:$0x2] =	sbarrier.arrive $0xFFFF  }
0x6d: {  	[sflag:s0] =	ssyncadd.tile.s32 @!p0 $0x1;
	_ =	shalt  }
.Lfunc_end2:
_tile_overlayer_lowered:
.L_overlay_start_2:
0x6e: {  	(tag) =	ssettag $0x2  }
0x6f: {  	s0 =	rddreg [dreg:$0x0];
	s2 =	stileid.u32  }
0x70: {  	s1 =	rddreg [dreg:$0x1];
	p0 =	sne.s32 s2, $0x0  }
0x71: {  	s3 =	rddreg [dreg:$0x2];
	[bflag:$0x3] =	sbarrier.arrive $0xFFFF;
	s2 =	simm.s32 @!p0 $0x1C02  }
0x72: {  	[timem:s3], [sflag:s2] =	dma.local @!p0 [hbm:s0], s1  }
0x73: {  	s0 =	simm.s32 @!p0 $0x2  }
0x74: {  	_ =	swait.ge @!p0 [sflag:s0], s1  }
0x75: {  	s1 =	ssub.s32 @!p0 $0x0, s1;
	[sflag:s0] =	ssyncset.done @!p0 $0x0  }
0x76: {  	[sflag:s0] =	ssyncadd.s32 @!p0 s1  }
0x77: {  	[bflag:$0x3] =	sbarrier.arrive $0xFFFF  }
0x78: {  	_ =	shalt  }

</sc_bundles>
